<compile_context>
chip_gen: v7x
topology: tpu7x:2x2x1
jax: 0.10.2.dev20260603
libtpu: 0.0.44.dev20260713+nightly
codegen_flags: <defaults>
</compile_context>

<pallas_src>
import functools

import jax
import jax.numpy as jnp
from jax import lax
from jax.experimental import pallas as pl
from jax.experimental.pallas import tpu as pltpu
from jax.experimental.pallas import tpu_sc as plsc

NC, NS, L = 2, 16, 16
NW = NC * NS
B = 16384
D = 128
BPW = B // NW
C = 128
G = BPW // C
NB = 2

R = 8192
SECONDS_PER_DAY = 86400.0


def _gather_body(ids_hbm, table_hbm, out_hbm,
                 idx_v, rows_v, isem, gsem0, gsem1, osem0, osem1):
    wid = lax.axis_index("s") * NC + lax.axis_index("c")
    base = wid * BPW
    gsems = (gsem0, gsem1)
    osems = (osem0, osem1)
    ih = [None] * G
    gh = [None] * G
    oh = [None] * G

    def start_idx(g):
        ih[g] = pltpu.async_copy(
            ids_hbm.at[pl.ds(base + g * C, C)], idx_v.at[g % NB], isem)

    def start_gather(g):
        nb = g % NB
        gh[g] = pltpu.async_copy(
            table_hbm.at[idx_v.at[nb]], rows_v.at[nb], gsems[nb])

    start_idx(0)
    if G > 1:
        start_idx(1)
    ih[0].wait()
    start_gather(0)
    for g in range(G):
        nb = g % NB
        if g + 1 < G:
            ih[g + 1].wait()
            start_gather(g + 1)
        if g + NB < G:
            start_idx(g + NB)
        gh[g].wait()
        if g >= NB:
            oh[g - NB].wait()
        oh[g] = pltpu.async_copy(
            rows_v.at[nb], out_hbm.at[pl.ds(base + g * C, C)], osems[nb])
    for g in range(max(0, G - NB), G):
        oh[g].wait()


_gather_call = pl.kernel(
    _gather_body,
    out_type=jax.ShapeDtypeStruct((B, D), jnp.float32),
    mesh=plsc.VectorSubcoreMesh(core_axis_name="c", subcore_axis_name="s"),
    scratch_types=[
        pltpu.VMEM((NB, C), jnp.int32),
        pltpu.VMEM((NB, C, D), jnp.float32),
        pltpu.SemaphoreType.DMA,
        pltpu.SemaphoreType.DMA,
        pltpu.SemaphoreType.DMA,
        pltpu.SemaphoreType.DMA,
        pltpu.SemaphoreType.DMA,
    ],
)


def _math_body(ab_ref, lam_ref, dt_ref, rc_ref, prof_ref, out_ref):
    a = ab_ref[0, 0]
    g = ab_ref[0, 1]
    lam = jnp.clip(lam_ref[...], 0.005, 0.05)
    denom = (1.0 + a * jnp.log1p(rc_ref[...])) \
        * (1.0 + g * jnp.clip(prof_ref[...], 0.0, 1.0))[:, None]
    z = lam * dt_ref[...] * (-1.0 / SECONDS_PER_DAY)
    out_ref[...] = jnp.exp(z / denom)


_math_call = pl.pallas_call(
    _math_body,
    out_shape=jax.ShapeDtypeStruct((B, D), jnp.float32),
    grid=(B // R,),
    in_specs=[
        pl.BlockSpec(memory_space=pltpu.SMEM),
        pl.BlockSpec((R, D), lambda i: (i, 0)),
        pl.BlockSpec((R, D), lambda i: (i, 0)),
        pl.BlockSpec((R, D), lambda i: (i, 0)),
        pl.BlockSpec((R,), lambda i: (i,)),
    ],
    out_specs=pl.BlockSpec((R, D), lambda i: (i, 0)),
)


def kernel(student_ids, delta_t, review_count, proficiency, lambda_table,
           alpha_logit, gamma_logit):
    alpha = jax.nn.sigmoid(alpha_logit) * 1.9 + 0.1
    gamma = jax.nn.sigmoid(gamma_logit) * 2.9 + 0.1
    ab = jnp.stack([alpha, gamma]).reshape(1, 2)
    ids = student_ids.astype(jnp.int32)
    lam = _gather_call(ids, lambda_table)
    return _math_call(ab, lam, delta_t, review_count, proficiency)

# --- scband reference (transcript-rebuilt; emitter-appended) ---
"""Pipeline reference for scband-base-decay-57054345560287 (READ-ONLY COPY).

The authoritative reference and input builder live on the scoring server;
editing this copy changes nothing except your own understanding.
"""

import jax, jax.numpy as jnp
import numpy as np

N_STUDENTS = 1000000
N_SKILLS = 128
BATCH = 16384
SECONDS_PER_DAY = 86400.0


def setup_inputs(seed: int = 0) -> dict:
    key = jax.random.key(seed)
    k1, k2, k3, k4, k5 = jax.random.split(key, 5)
    student_ids = jax.random.randint(k1, (BATCH,), 0, N_STUDENTS, dtype=jnp.int64 if jax.config.jax_enable_x64 else jnp.int32)
    delta_t = jax.random.uniform(k2, (BATCH, N_SKILLS), dtype=jnp.float32)
    review_count = jax.random.uniform(k3, (BATCH, N_SKILLS), dtype=jnp.float32)
    proficiency = jax.random.uniform(k4, (BATCH,), dtype=jnp.float32)
    # learned params
    lambda_table = jax.random.uniform(k5, (N_STUDENTS, N_SKILLS), dtype=jnp.float32, minval=0.01, maxval=0.03)
    alpha_logit = jnp.zeros((), dtype=jnp.float32)
    gamma_logit = jnp.zeros((), dtype=jnp.float32)
    return {
        "student_ids": student_ids,
        "delta_t": delta_t,
        "review_count": review_count,
        "proficiency": proficiency,
        "lambda_table": lambda_table,
        "alpha_logit": alpha_logit,
        "gamma_logit": gamma_logit,
    }


def reference(student_ids, delta_t, review_count, proficiency, lambda_table, alpha_logit, gamma_logit):
    # embedding lookup (SparseCore gather)
    lambda_us = jnp.take(lambda_table, student_ids, axis=0)
    lambda_us = jnp.clip(lambda_us, 0.005, 0.05)
    alpha = jax.nn.sigmoid(alpha_logit) * 1.9 + 0.1
    gamma = jax.nn.sigmoid(gamma_logit) * 2.9 + 0.1
    stability = jnp.ones_like(lambda_us)
    stability = stability * (1.0 + alpha * jnp.log1p(review_count.astype(jnp.float32)))
    p = jnp.clip(proficiency, 0.0, 1.0)[:, None]
    stability = stability * (1.0 + gamma * p)
    lambda_eff = lambda_us / stability
    delta_t_days = delta_t / SECONDS_PER_DAY
    return jnp.exp(-lambda_eff * delta_t_days)

if __name__ == "__main__":
    import jax
    _d = setup_inputs()
    print(jax.jit(kernel)(*tuple(_d.values())))

</pallas_src>

<mosaic_0001>
#map = affine_map<(d0, d1) -> (0)>
#map1 = affine_map<(d0, d1) -> (0, 0)>
module attributes {stable_mosaic.version = 14 : i64} {
  func.func @_gather_body(%arg0: i32, %arg1: i32, %arg2: memref<16384xi32, #tpu.memory_space<hbm>>, %arg3: memref<1000000x128xf32, #tpu.memory_space<hbm>>, %arg4: memref<16384x128xf32, #tpu.memory_space<hbm>>, %arg5: memref<2x128xi32, #tpu.memory_space<vmem>>, %arg6: memref<2x128x128xf32, #tpu.memory_space<vmem>>, %arg7: memref<!tpu.dma_semaphore, #tpu.memory_space<semaphore_mem>>, %arg8: memref<!tpu.dma_semaphore, #tpu.memory_space<semaphore_mem>>, %arg9: memref<!tpu.dma_semaphore, #tpu.memory_space<semaphore_mem>>, %arg10: memref<!tpu.dma_semaphore, #tpu.memory_space<semaphore_mem>>, %arg11: memref<!tpu.dma_semaphore, #tpu.memory_space<semaphore_mem>>) attributes {dimension_semantics = [#tpu.dimension_semantics<core_parallel>, #tpu.dimension_semantics<subcore_parallel>], iteration_bounds = array<i64: 2, 16>, scalar_prefetch = 0 : i64, scratch_operands = 7 : i64, tpu.core_type = #tpu.core_type<sc_vector_subcore>, window_params = [{transform_indices = #map}, {transform_indices = #map1}, {transform_indices = #map1}]} {
    %mul3A = arith.constant 2 : i32
    %mul3A_0 = arith.muli %arg1, %mul3A : i32
    %add3A = arith.addi %mul3A_0, %arg0 : i32
    %mul3A_1 = arith.constant 512 : i32
    %mul3A_2 = arith.muli %add3A, %mul3A_1 : i32
    %add3A_3 = arith.constant 0 : i32
    %add3A_4 = arith.addi %mul3A_2, %add3A_3 : i32
    %dma_start3A = arith.constant 0 : i32
    %dma_start3A_5 = arith.constant 0 : i32
    %dma_start3A_6 = tpu.memref_slice %arg5[%dma_start3A, %dma_start3A_5] : memref<2x128xi32, #tpu.memory_space<vmem>> -> memref<1x128xi32, #tpu.memory_space<vmem>>
    %dma_start3A_7 = tpu.memref_squeeze %dma_start3A_6 : memref<1x128xi32, #tpu.memory_space<vmem>> -> memref<128xi32, #tpu.memory_space<vmem>>
    %dma_start3A_8 = tpu.memref_slice %arg2[%add3A_4] : memref<16384xi32, #tpu.memory_space<hbm>> -> memref<128xi32, #tpu.memory_space<hbm>>
    %dma_start3A_9 = arith.constant 0 : i32
    %dma_start3A_10 = tpu.memref_slice %arg5[%dma_start3A, %dma_start3A_9] : memref<2x128xi32, #tpu.memory_space<vmem>> -> memref<1x128xi32, #tpu.memory_space<vmem>>
    %dma_start3A_11 = tpu.memref_squeeze %dma_start3A_10 : memref<1x128xi32, #tpu.memory_space<vmem>> -> memref<128xi32, #tpu.memory_space<vmem>>
    %dma_start3A_12 = tpu.memref_slice %arg2[%add3A_4] : memref<16384xi32, #tpu.memory_space<hbm>> -> memref<128xi32, #tpu.memory_space<hbm>>
    tpu.enqueue_dma source(%dma_start3A_12 : memref<128xi32, #tpu.memory_space<hbm>>) target(%dma_start3A_11 : memref<128xi32, #tpu.memory_space<vmem>>) target_semaphore(%arg7 : memref<!tpu.dma_semaphore, #tpu.memory_space<semaphore_mem>>)
    %add3A_13 = arith.constant 128 : i32
    %add3A_14 = arith.addi %mul3A_2, %add3A_13 : i32
    %dma_start3A_15 = arith.constant 1 : i32
    %dma_start3A_16 = arith.constant 0 : i32
    %dma_start3A_17 = tpu.memref_slice %arg5[%dma_start3A_15, %dma_start3A_16] : memref<2x128xi32, #tpu.memory_space<vmem>> -> memref<1x128xi32, #tpu.memory_space<vmem>>
    %dma_start3A_18 = tpu.memref_squeeze %dma_start3A_17 : memref<1x128xi32, #tpu.memory_space<vmem>> -> memref<128xi32, #tpu.memory_space<vmem>>
    %dma_start3A_19 = tpu.memref_slice %arg2[%add3A_14] : memref<16384xi32, #tpu.memory_space<hbm>> -> memref<128xi32, #tpu.memory_space<hbm>>
    %dma_start3A_20 = arith.constant 0 : i32
    %dma_start3A_21 = tpu.memref_slice %arg5[%dma_start3A_15, %dma_start3A_20] : memref<2x128xi32, #tpu.memory_space<vmem>> -> memref<1x128xi32, #tpu.memory_space<vmem>>
    %dma_start3A_22 = tpu.memref_squeeze %dma_start3A_21 : memref<1x128xi32, #tpu.memory_space<vmem>> -> memref<128xi32, #tpu.memory_space<vmem>>
    %dma_start3A_23 = tpu.memref_slice %arg2[%add3A_14] : memref<16384xi32, #tpu.memory_space<hbm>> -> memref<128xi32, #tpu.memory_space<hbm>>
    tpu.enqueue_dma source(%dma_start3A_23 : memref<128xi32, #tpu.memory_space<hbm>>) target(%dma_start3A_22 : memref<128xi32, #tpu.memory_space<vmem>>) target_semaphore(%arg7 : memref<!tpu.dma_semaphore, #tpu.memory_space<semaphore_mem>>)
    %dma_wait3A = arith.constant 0 : i32
    %dma_wait3A_24 = arith.constant 0 : i32
    %dma_wait3A_25 = tpu.memref_slice %arg5[%dma_wait3A, %dma_wait3A_24] : memref<2x128xi32, #tpu.memory_space<vmem>> -> memref<1x128xi32, #tpu.memory_space<vmem>>
    %dma_wait3A_26 = tpu.memref_squeeze %dma_wait3A_25 : memref<1x128xi32, #tpu.memory_space<vmem>> -> memref<128xi32, #tpu.memory_space<vmem>>
    %dma_wait3A_27 = tpu.memref_slice %arg2[%add3A_4] : memref<16384xi32, #tpu.memory_space<hbm>> -> memref<128xi32, #tpu.memory_space<hbm>>
    %dma_wait3A_28 = arith.constant 0 : i32
    %dma_wait3A_29 = tpu.memref_slice %arg5[%dma_wait3A, %dma_wait3A_28] : memref<2x128xi32, #tpu.memory_space<vmem>> -> memref<1x128xi32, #tpu.memory_space<vmem>>
    %dma_wait3A_30 = tpu.memref_squeeze %dma_wait3A_29 : memref<1x128xi32, #tpu.memory_space<vmem>> -> memref<128xi32, #tpu.memory_space<vmem>>
    %dma_wait3A_31 = tpu.memref_slice %arg2[%add3A_4] : memref<16384xi32, #tpu.memory_space<hbm>> -> memref<128xi32, #tpu.memory_space<hbm>>
    tpu.wait_dma2 semaphore(%arg7 : memref<!tpu.dma_semaphore, #tpu.memory_space<semaphore_mem>>) src(%dma_wait3A_31 : memref<128xi32, #tpu.memory_space<hbm>>) dst(%dma_wait3A_30 : memref<128xi32, #tpu.memory_space<vmem>>)
    %dma_start3A_32 = arith.constant 0 : i32
    %dma_start3A_33 = arith.constant 0 : i32
    %dma_start3A_34 = arith.constant 0 : i32
    %dma_start3A_35 = arith.constant 0 : i32
    %dma_start3A_36 = tpu.memref_slice %arg6[%dma_start3A_33, %dma_start3A_34, %dma_start3A_35] : memref<2x128x128xf32, #tpu.memory_space<vmem>> -> memref<1x128x128xf32, #tpu.memory_space<vmem>>
    %dma_start3A_37 = tpu.memref_squeeze %dma_start3A_36 : memref<1x128x128xf32, #tpu.memory_space<vmem>> -> memref<128x128xf32, #tpu.memory_space<vmem>>
    %dma_start3A_38 = arith.constant 0 : i32
    %dma_start3A_39 = tpu.memref_slice %arg5[%dma_start3A_32, %dma_start3A_38] : memref<2x128xi32, #tpu.memory_space<vmem>> -> memref<1x128xi32, #tpu.memory_space<vmem>>
    %dma_start3A_40 = tpu.memref_squeeze %dma_start3A_39 : memref<1x128xi32, #tpu.memory_space<vmem>> -> memref<128xi32, #tpu.memory_space<vmem>>
    %dma_start3A_41 = arith.constant 0 : i32
    %dma_start3A_42 = arith.constant 0 : i32
    %dma_start3A_43 = tpu.memref_slice %arg3[%dma_start3A_41, %dma_start3A_42] : memref<1000000x128xf32, #tpu.memory_space<hbm>> -> memref<1000000x128xf32, #tpu.memory_space<hbm>>
    tpu.enqueue_indirect_dma source(%dma_start3A_43 : memref<1000000x128xf32, #tpu.memory_space<hbm>>) target(%dma_start3A_37 : memref<128x128xf32, #tpu.memory_space<vmem>>) offsets(%dma_start3A_40 : memref<128xi32, #tpu.memory_space<vmem>>) semaphore(%arg8 : memref<!tpu.dma_semaphore, #tpu.memory_space<semaphore_mem>>)
    %dma_wait3A_44 = arith.constant 1 : i32
    %dma_wait3A_45 = arith.constant 0 : i32
    %dma_wait3A_46 = tpu.memref_slice %arg5[%dma_wait3A_44, %dma_wait3A_45] : memref<2x128xi32, #tpu.memory_space<vmem>> -> memref<1x128xi32, #tpu.memory_space<vmem>>
    %dma_wait3A_47 = tpu.memref_squeeze %dma_wait3A_46 : memref<1x128xi32, #tpu.memory_space<vmem>> -> memref<128xi32, #tpu.memory_space<vmem>>
    %dma_wait3A_48 = tpu.memref_slice %arg2[%add3A_14] : memref<16384xi32, #tpu.memory_space<hbm>> -> memref<128xi32, #tpu.memory_space<hbm>>
    %dma_wait3A_49 = arith.constant 0 : i32
    %dma_wait3A_50 = tpu.memref_slice %arg5[%dma_wait3A_44, %dma_wait3A_49] : memref<2x128xi32, #tpu.memory_space<vmem>> -> memref<1x128xi32, #tpu.memory_space<vmem>>
    %dma_wait3A_51 = tpu.memref_squeeze %dma_wait3A_50 : memref<1x128xi32, #tpu.memory_space<vmem>> -> memref<128xi32, #tpu.memory_space<vmem>>
    %dma_wait3A_52 = tpu.memref_slice %arg2[%add3A_14] : memref<16384xi32, #tpu.memory_space<hbm>> -> memref<128xi32, #tpu.memory_space<hbm>>
    tpu.wait_dma2 semaphore(%arg7 : memref<!tpu.dma_semaphore, #tpu.memory_space<semaphore_mem>>) src(%dma_wait3A_52 : memref<128xi32, #tpu.memory_space<hbm>>) dst(%dma_wait3A_51 : memref<128xi32, #tpu.memory_space<vmem>>)
    %dma_start3A_53 = arith.constant 1 : i32
    %dma_start3A_54 = arith.constant 1 : i32
    %dma_start3A_55 = arith.constant 0 : i32
    %dma_start3A_56 = arith.constant 0 : i32
    %dma_start3A_57 = tpu.memref_slice %arg6[%dma_start3A_54, %dma_start3A_55, %dma_start3A_56] : memref<2x128x128xf32, #tpu.memory_space<vmem>> -> memref<1x128x128xf32, #tpu.memory_space<vmem>>
    %dma_start3A_58 = tpu.memref_squeeze %dma_start3A_57 : memref<1x128x128xf32, #tpu.memory_space<vmem>> -> memref<128x128xf32, #tpu.memory_space<vmem>>
    %dma_start3A_59 = arith.constant 0 : i32
    %dma_start3A_60 = tpu.memref_slice %arg5[%dma_start3A_53, %dma_start3A_59] : memref<2x128xi32, #tpu.memory_space<vmem>> -> memref<1x128xi32, #tpu.memory_space<vmem>>
    %dma_start3A_61 = tpu.memref_squeeze %dma_start3A_60 : memref<1x128xi32, #tpu.memory_space<vmem>> -> memref<128xi32, #tpu.memory_space<vmem>>
    %dma_start3A_62 = arith.constant 0 : i32
    %dma_start3A_63 = arith.constant 0 : i32
    %dma_start3A_64 = tpu.memref_slice %arg3[%dma_start3A_62, %dma_start3A_63] : memref<1000000x128xf32, #tpu.memory_space<hbm>> -> memref<1000000x128xf32, #tpu.memory_space<hbm>>
    tpu.enqueue_indirect_dma source(%dma_start3A_64 : memref<1000000x128xf32, #tpu.memory_space<hbm>>) target(%dma_start3A_58 : memref<128x128xf32, #tpu.memory_space<vmem>>) offsets(%dma_start3A_61 : memref<128xi32, #tpu.memory_space<vmem>>) semaphore(%arg9 : memref<!tpu.dma_semaphore, #tpu.memory_space<semaphore_mem>>)
    %add3A_65 = arith.constant 256 : i32
    %add3A_66 = arith.addi %mul3A_2, %add3A_65 : i32
    %dma_start3A_67 = arith.constant 0 : i32
    %dma_start3A_68 = arith.constant 0 : i32
    %dma_start3A_69 = tpu.memref_slice %arg5[%dma_start3A_67, %dma_start3A_68] : memref<2x128xi32, #tpu.memory_space<vmem>> -> memref<1x128xi32, #tpu.memory_space<vmem>>
    %dma_start3A_70 = tpu.memref_squeeze %dma_start3A_69 : memref<1x128xi32, #tpu.memory_space<vmem>> -> memref<128xi32, #tpu.memory_space<vmem>>
    %dma_start3A_71 = tpu.memref_slice %arg2[%add3A_66] : memref<16384xi32, #tpu.memory_space<hbm>> -> memref<128xi32, #tpu.memory_space<hbm>>
    %dma_start3A_72 = arith.constant 0 : i32
    %dma_start3A_73 = tpu.memref_slice %arg5[%dma_start3A_67, %dma_start3A_72] : memref<2x128xi32, #tpu.memory_space<vmem>> -> memref<1x128xi32, #tpu.memory_space<vmem>>
    %dma_start3A_74 = tpu.memref_squeeze %dma_start3A_73 : memref<1x128xi32, #tpu.memory_space<vmem>> -> memref<128xi32, #tpu.memory_space<vmem>>
    %dma_start3A_75 = tpu.memref_slice %arg2[%add3A_66] : memref<16384xi32, #tpu.memory_space<hbm>> -> memref<128xi32, #tpu.memory_space<hbm>>
    tpu.enqueue_dma source(%dma_start3A_75 : memref<128xi32, #tpu.memory_space<hbm>>) target(%dma_start3A_74 : memref<128xi32, #tpu.memory_space<vmem>>) target_semaphore(%arg7 : memref<!tpu.dma_semaphore, #tpu.memory_space<semaphore_mem>>)
    %dma_wait3A_76 = arith.constant 0 : i32
    %dma_wait3A_77 = arith.constant 0 : i32
    %dma_wait3A_78 = arith.constant 0 : i32
    %dma_wait3A_79 = arith.constant 0 : i32
    %dma_wait3A_80 = tpu.memref_slice %arg6[%dma_wait3A_77, %dma_wait3A_78, %dma_wait3A_79] : memref<2x128x128xf32, #tpu.memory_space<vmem>> -> memref<1x128x128xf32, #tpu.memory_space<vmem>>
    %dma_wait3A_81 = tpu.memref_squeeze %dma_wait3A_80 : memref<1x128x128xf32, #tpu.memory_space<vmem>> -> memref<128x128xf32, #tpu.memory_space<vmem>>
    %dma_wait3A_82 = arith.constant 0 : i32
    %dma_wait3A_83 = tpu.memref_slice %arg5[%dma_wait3A_76, %dma_wait3A_82] : memref<2x128xi32, #tpu.memory_space<vmem>> -> memref<1x128xi32, #tpu.memory_space<vmem>>
    %dma_wait3A_84 = tpu.memref_squeeze %dma_wait3A_83 : memref<1x128xi32, #tpu.memory_space<vmem>> -> memref<128xi32, #tpu.memory_space<vmem>>
    %dma_wait3A_85 = arith.constant 0 : i32
    %dma_wait3A_86 = arith.constant 0 : i32
    %dma_wait3A_87 = tpu.memref_slice %arg3[%dma_wait3A_85, %dma_wait3A_86] : memref<1000000x128xf32, #tpu.memory_space<hbm>> -> memref<1000000x128xf32, #tpu.memory_space<hbm>>
    tpu.wait_indirect_dma semaphore(%arg8 : memref<!tpu.dma_semaphore, #tpu.memory_space<semaphore_mem>>) src(%dma_wait3A_87 : memref<1000000x128xf32, #tpu.memory_space<hbm>>) dst(%dma_wait3A_81 : memref<128x128xf32, #tpu.memory_space<vmem>>)
    %add3A_88 = arith.constant 0 : i32
    %add3A_89 = arith.addi %mul3A_2, %add3A_88 : i32
    %dma_start3A_90 = arith.constant 0 : i32
    %dma_start3A_91 = arith.constant 0 : i32
    %dma_start3A_92 = arith.constant 0 : i32
    %dma_start3A_93 = tpu.memref_slice %arg6[%dma_start3A_90, %dma_start3A_91, %dma_start3A_92] : memref<2x128x128xf32, #tpu.memory_space<vmem>> -> memref<1x128x128xf32, #tpu.memory_space<vmem>>
    %dma_start3A_94 = tpu.memref_squeeze %dma_start3A_93 : memref<1x128x128xf32, #tpu.memory_space<vmem>> -> memref<128x128xf32, #tpu.memory_space<vmem>>
    %dma_start3A_95 = arith.constant 0 : i32
    %dma_start3A_96 = tpu.memref_slice %arg4[%add3A_89, %dma_start3A_95] : memref<16384x128xf32, #tpu.memory_space<hbm>> -> memref<128x128xf32, #tpu.memory_space<hbm>>
    %dma_start3A_97 = arith.constant 0 : i32
    %dma_start3A_98 = tpu.memref_slice %arg4[%add3A_89, %dma_start3A_97] : memref<16384x128xf32, #tpu.memory_space<hbm>> -> memref<128x128xf32, #tpu.memory_space<hbm>>
    %dma_start3A_99 = arith.constant 0 : i32
    %dma_start3A_100 = arith.constant 0 : i32
    %dma_start3A_101 = tpu.memref_slice %arg6[%dma_start3A_90, %dma_start3A_99, %dma_start3A_100] : memref<2x128x128xf32, #tpu.memory_space<vmem>> -> memref<1x128x128xf32, #tpu.memory_space<vmem>>
    %dma_start3A_102 = tpu.memref_squeeze %dma_start3A_101 : memref<1x128x128xf32, #tpu.memory_space<vmem>> -> memref<128x128xf32, #tpu.memory_space<vmem>>
    tpu.enqueue_dma source(%dma_start3A_102 : memref<128x128xf32, #tpu.memory_space<vmem>>) target(%dma_start3A_98 : memref<128x128xf32, #tpu.memory_space<hbm>>) target_semaphore(%arg10 : memref<!tpu.dma_semaphore, #tpu.memory_space<semaphore_mem>>)
    %dma_wait3A_103 = arith.constant 0 : i32
    %dma_wait3A_104 = arith.constant 0 : i32
    %dma_wait3A_105 = tpu.memref_slice %arg5[%dma_wait3A_103, %dma_wait3A_104] : memref<2x128xi32, #tpu.memory_space<vmem>> -> memref<1x128xi32, #tpu.memory_space<vmem>>
    %dma_wait3A_106 = tpu.memref_squeeze %dma_wait3A_105 : memref<1x128xi32, #tpu.memory_space<vmem>> -> memref<128xi32, #tpu.memory_space<vmem>>
    %dma_wait3A_107 = tpu.memref_slice %arg2[%add3A_66] : memref<16384xi32, #tpu.memory_space<hbm>> -> memref<128xi32, #tpu.memory_space<hbm>>
    %dma_wait3A_108 = arith.constant 0 : i32
    %dma_wait3A_109 = tpu.memref_slice %arg5[%dma_wait3A_103, %dma_wait3A_108] : memref<2x128xi32, #tpu.memory_space<vmem>> -> memref<1x128xi32, #tpu.memory_space<vmem>>
    %dma_wait3A_110 = tpu.memref_squeeze %dma_wait3A_109 : memref<1x128xi32, #tpu.memory_space<vmem>> -> memref<128xi32, #tpu.memory_space<vmem>>
    %dma_wait3A_111 = tpu.memref_slice %arg2[%add3A_66] : memref<16384xi32, #tpu.memory_space<hbm>> -> memref<128xi32, #tpu.memory_space<hbm>>
    tpu.wait_dma2 semaphore(%arg7 : memref<!tpu.dma_semaphore, #tpu.memory_space<semaphore_mem>>) src(%dma_wait3A_111 : memref<128xi32, #tpu.memory_space<hbm>>) dst(%dma_wait3A_110 : memref<128xi32, #tpu.memory_space<vmem>>)
    %dma_start3A_112 = arith.constant 0 : i32
    %dma_start3A_113 = arith.constant 0 : i32
    %dma_start3A_114 = arith.constant 0 : i32
    %dma_start3A_115 = arith.constant 0 : i32
    %dma_start3A_116 = tpu.memref_slice %arg6[%dma_start3A_113, %dma_start3A_114, %dma_start3A_115] : memref<2x128x128xf32, #tpu.memory_space<vmem>> -> memref<1x128x128xf32, #tpu.memory_space<vmem>>
    %dma_start3A_117 = tpu.memref_squeeze %dma_start3A_116 : memref<1x128x128xf32, #tpu.memory_space<vmem>> -> memref<128x128xf32, #tpu.memory_space<vmem>>
    %dma_start3A_118 = arith.constant 0 : i32
    %dma_start3A_119 = tpu.memref_slice %arg5[%dma_start3A_112, %dma_start3A_118] : memref<2x128xi32, #tpu.memory_space<vmem>> -> memref<1x128xi32, #tpu.memory_space<vmem>>
    %dma_start3A_120 = tpu.memref_squeeze %dma_start3A_119 : memref<1x128xi32, #tpu.memory_space<vmem>> -> memref<128xi32, #tpu.memory_space<vmem>>
    %dma_start3A_121 = arith.constant 0 : i32
    %dma_start3A_122 = arith.constant 0 : i32
    %dma_start3A_123 = tpu.memref_slice %arg3[%dma_start3A_121, %dma_start3A_122] : memref<1000000x128xf32, #tpu.memory_space<hbm>> -> memref<1000000x128xf32, #tpu.memory_space<hbm>>
    tpu.enqueue_indirect_dma source(%dma_start3A_123 : memref<1000000x128xf32, #tpu.memory_space<hbm>>) target(%dma_start3A_117 : memref<128x128xf32, #tpu.memory_space<vmem>>) offsets(%dma_start3A_120 : memref<128xi32, #tpu.memory_space<vmem>>) semaphore(%arg8 : memref<!tpu.dma_semaphore, #tpu.memory_space<semaphore_mem>>)
    %add3A_124 = arith.constant 384 : i32
    %add3A_125 = arith.addi %mul3A_2, %add3A_124 : i32
    %dma_start3A_126 = arith.constant 1 : i32
    %dma_start3A_127 = arith.constant 0 : i32
    %dma_start3A_128 = tpu.memref_slice %arg5[%dma_start3A_126, %dma_start3A_127] : memref<2x128xi32, #tpu.memory_space<vmem>> -> memref<1x128xi32, #tpu.memory_space<vmem>>
    %dma_start3A_129 = tpu.memref_squeeze %dma_start3A_128 : memref<1x128xi32, #tpu.memory_space<vmem>> -> memref<128xi32, #tpu.memory_space<vmem>>
    %dma_start3A_130 = tpu.memref_slice %arg2[%add3A_125] : memref<16384xi32, #tpu.memory_space<hbm>> -> memref<128xi32, #tpu.memory_space<hbm>>
    %dma_start3A_131 = arith.constant 0 : i32
    %dma_start3A_132 = tpu.memref_slice %arg5[%dma_start3A_126, %dma_start3A_131] : memref<2x128xi32, #tpu.memory_space<vmem>> -> memref<1x128xi32, #tpu.memory_space<vmem>>
    %dma_start3A_133 = tpu.memref_squeeze %dma_start3A_132 : memref<1x128xi32, #tpu.memory_space<vmem>> -> memref<128xi32, #tpu.memory_space<vmem>>
    %dma_start3A_134 = tpu.memref_slice %arg2[%add3A_125] : memref<16384xi32, #tpu.memory_space<hbm>> -> memref<128xi32, #tpu.memory_space<hbm>>
    tpu.enqueue_dma source(%dma_start3A_134 : memref<128xi32, #tpu.memory_space<hbm>>) target(%dma_start3A_133 : memref<128xi32, #tpu.memory_space<vmem>>) target_semaphore(%arg7 : memref<!tpu.dma_semaphore, #tpu.memory_space<semaphore_mem>>)
    %dma_wait3A_135 = arith.constant 1 : i32
    %dma_wait3A_136 = arith.constant 1 : i32
    %dma_wait3A_137 = arith.constant 0 : i32
    %dma_wait3A_138 = arith.constant 0 : i32
    %dma_wait3A_139 = tpu.memref_slice %arg6[%dma_wait3A_136, %dma_wait3A_137, %dma_wait3A_138] : memref<2x128x128xf32, #tpu.memory_space<vmem>> -> memref<1x128x128xf32, #tpu.memory_space<vmem>>
    %dma_wait3A_140 = tpu.memref_squeeze %dma_wait3A_139 : memref<1x128x128xf32, #tpu.memory_space<vmem>> -> memref<128x128xf32, #tpu.memory_space<vmem>>
    %dma_wait3A_141 = arith.constant 0 : i32
    %dma_wait3A_142 = tpu.memref_slice %arg5[%dma_wait3A_135, %dma_wait3A_141] : memref<2x128xi32, #tpu.memory_space<vmem>> -> memref<1x128xi32, #tpu.memory_space<vmem>>
    %dma_wait3A_143 = tpu.memref_squeeze %dma_wait3A_142 : memref<1x128xi32, #tpu.memory_space<vmem>> -> memref<128xi32, #tpu.memory_space<vmem>>
    %dma_wait3A_144 = arith.constant 0 : i32
    %dma_wait3A_145 = arith.constant 0 : i32
    %dma_wait3A_146 = tpu.memref_slice %arg3[%dma_wait3A_144, %dma_wait3A_145] : memref<1000000x128xf32, #tpu.memory_space<hbm>> -> memref<1000000x128xf32, #tpu.memory_space<hbm>>
    tpu.wait_indirect_dma semaphore(%arg9 : memref<!tpu.dma_semaphore, #tpu.memory_space<semaphore_mem>>) src(%dma_wait3A_146 : memref<1000000x128xf32, #tpu.memory_space<hbm>>) dst(%dma_wait3A_140 : memref<128x128xf32, #tpu.memory_space<vmem>>)
    %add3A_147 = arith.constant 128 : i32
    %add3A_148 = arith.addi %mul3A_2, %add3A_147 : i32
    %dma_start3A_149 = arith.constant 1 : i32
    %dma_start3A_150 = arith.constant 0 : i32
    %dma_start3A_151 = arith.constant 0 : i32
    %dma_start3A_152 = tpu.memref_slice %arg6[%dma_start3A_149, %dma_start3A_150, %dma_start3A_151] : memref<2x128x128xf32, #tpu.memory_space<vmem>> -> memref<1x128x128xf32, #tpu.memory_space<vmem>>
    %dma_start3A_153 = tpu.memref_squeeze %dma_start3A_152 : memref<1x128x128xf32, #tpu.memory_space<vmem>> -> memref<128x128xf32, #tpu.memory_space<vmem>>
    %dma_start3A_154 = arith.constant 0 : i32
    %dma_start3A_155 = tpu.memref_slice %arg4[%add3A_148, %dma_start3A_154] : memref<16384x128xf32, #tpu.memory_space<hbm>> -> memref<128x128xf32, #tpu.memory_space<hbm>>
    %dma_start3A_156 = arith.constant 0 : i32
    %dma_start3A_157 = tpu.memref_slice %arg4[%add3A_148, %dma_start3A_156] : memref<16384x128xf32, #tpu.memory_space<hbm>> -> memref<128x128xf32, #tpu.memory_space<hbm>>
    %dma_start3A_158 = arith.constant 0 : i32
    %dma_start3A_159 = arith.constant 0 : i32
    %dma_start3A_160 = tpu.memref_slice %arg6[%dma_start3A_149, %dma_start3A_158, %dma_start3A_159] : memref<2x128x128xf32, #tpu.memory_space<vmem>> -> memref<1x128x128xf32, #tpu.memory_space<vmem>>
    %dma_start3A_161 = tpu.memref_squeeze %dma_start3A_160 : memref<1x128x128xf32, #tpu.memory_space<vmem>> -> memref<128x128xf32, #tpu.memory_space<vmem>>
    tpu.enqueue_dma source(%dma_start3A_161 : memref<128x128xf32, #tpu.memory_space<vmem>>) target(%dma_start3A_157 : memref<128x128xf32, #tpu.memory_space<hbm>>) target_semaphore(%arg11 : memref<!tpu.dma_semaphore, #tpu.memory_space<semaphore_mem>>)
    %dma_wait3A_162 = arith.constant 1 : i32
    %dma_wait3A_163 = arith.constant 0 : i32
    %dma_wait3A_164 = tpu.memref_slice %arg5[%dma_wait3A_162, %dma_wait3A_163] : memref<2x128xi32, #tpu.memory_space<vmem>> -> memref<1x128xi32, #tpu.memory_space<vmem>>
    %dma_wait3A_165 = tpu.memref_squeeze %dma_wait3A_164 : memref<1x128xi32, #tpu.memory_space<vmem>> -> memref<128xi32, #tpu.memory_space<vmem>>
    %dma_wait3A_166 = tpu.memref_slice %arg2[%add3A_125] : memref<16384xi32, #tpu.memory_space<hbm>> -> memref<128xi32, #tpu.memory_space<hbm>>
    %dma_wait3A_167 = arith.constant 0 : i32
    %dma_wait3A_168 = tpu.memref_slice %arg5[%dma_wait3A_162, %dma_wait3A_167] : memref<2x128xi32, #tpu.memory_space<vmem>> -> memref<1x128xi32, #tpu.memory_space<vmem>>
    %dma_wait3A_169 = tpu.memref_squeeze %dma_wait3A_168 : memref<1x128xi32, #tpu.memory_space<vmem>> -> memref<128xi32, #tpu.memory_space<vmem>>
    %dma_wait3A_170 = tpu.memref_slice %arg2[%add3A_125] : memref<16384xi32, #tpu.memory_space<hbm>> -> memref<128xi32, #tpu.memory_space<hbm>>
    tpu.wait_dma2 semaphore(%arg7 : memref<!tpu.dma_semaphore, #tpu.memory_space<semaphore_mem>>) src(%dma_wait3A_170 : memref<128xi32, #tpu.memory_space<hbm>>) dst(%dma_wait3A_169 : memref<128xi32, #tpu.memory_space<vmem>>)
    %dma_start3A_171 = arith.constant 1 : i32
    %dma_start3A_172 = arith.constant 1 : i32
    %dma_start3A_173 = arith.constant 0 : i32
    %dma_start3A_174 = arith.constant 0 : i32
    %dma_start3A_175 = tpu.memref_slice %arg6[%dma_start3A_172, %dma_start3A_173, %dma_start3A_174] : memref<2x128x128xf32, #tpu.memory_space<vmem>> -> memref<1x128x128xf32, #tpu.memory_space<vmem>>
    %dma_start3A_176 = tpu.memref_squeeze %dma_start3A_175 : memref<1x128x128xf32, #tpu.memory_space<vmem>> -> memref<128x128xf32, #tpu.memory_space<vmem>>
    %dma_start3A_177 = arith.constant 0 : i32
    %dma_start3A_178 = tpu.memref_slice %arg5[%dma_start3A_171, %dma_start3A_177] : memref<2x128xi32, #tpu.memory_space<vmem>> -> memref<1x128xi32, #tpu.memory_space<vmem>>
    %dma_start3A_179 = tpu.memref_squeeze %dma_start3A_178 : memref<1x128xi32, #tpu.memory_space<vmem>> -> memref<128xi32, #tpu.memory_space<vmem>>
    %dma_start3A_180 = arith.constant 0 : i32
    %dma_start3A_181 = arith.constant 0 : i32
    %dma_start3A_182 = tpu.memref_slice %arg3[%dma_start3A_180, %dma_start3A_181] : memref<1000000x128xf32, #tpu.memory_space<hbm>> -> memref<1000000x128xf32, #tpu.memory_space<hbm>>
    tpu.enqueue_indirect_dma source(%dma_start3A_182 : memref<1000000x128xf32, #tpu.memory_space<hbm>>) target(%dma_start3A_176 : memref<128x128xf32, #tpu.memory_space<vmem>>) offsets(%dma_start3A_179 : memref<128xi32, #tpu.memory_space<vmem>>) semaphore(%arg9 : memref<!tpu.dma_semaphore, #tpu.memory_space<semaphore_mem>>)
    %dma_wait3A_183 = arith.constant 0 : i32
    %dma_wait3A_184 = arith.constant 0 : i32
    %dma_wait3A_185 = arith.constant 0 : i32
    %dma_wait3A_186 = arith.constant 0 : i32
    %dma_wait3A_187 = tpu.memref_slice %arg6[%dma_wait3A_184, %dma_wait3A_185, %dma_wait3A_186] : memref<2x128x128xf32, #tpu.memory_space<vmem>> -> memref<1x128x128xf32, #tpu.memory_space<vmem>>
    %dma_wait3A_188 = tpu.memref_squeeze %dma_wait3A_187 : memref<1x128x128xf32, #tpu.memory_space<vmem>> -> memref<128x128xf32, #tpu.memory_space<vmem>>
    %dma_wait3A_189 = arith.constant 0 : i32
    %dma_wait3A_190 = tpu.memref_slice %arg5[%dma_wait3A_183, %dma_wait3A_189] : memref<2x128xi32, #tpu.memory_space<vmem>> -> memref<1x128xi32, #tpu.memory_space<vmem>>
    %dma_wait3A_191 = tpu.memref_squeeze %dma_wait3A_190 : memref<1x128xi32, #tpu.memory_space<vmem>> -> memref<128xi32, #tpu.memory_space<vmem>>
    %dma_wait3A_192 = arith.constant 0 : i32
    %dma_wait3A_193 = arith.constant 0 : i32
    %dma_wait3A_194 = tpu.memref_slice %arg3[%dma_wait3A_192, %dma_wait3A_193] : memref<1000000x128xf32, #tpu.memory_space<hbm>> -> memref<1000000x128xf32, #tpu.memory_space<hbm>>
    tpu.wait_indirect_dma semaphore(%arg8 : memref<!tpu.dma_semaphore, #tpu.memory_space<semaphore_mem>>) src(%dma_wait3A_194 : memref<1000000x128xf32, #tpu.memory_space<hbm>>) dst(%dma_wait3A_188 : memref<128x128xf32, #tpu.memory_space<vmem>>)
    %dma_wait3A_195 = arith.constant 0 : i32
    %dma_wait3A_196 = arith.constant 0 : i32
    %dma_wait3A_197 = arith.constant 0 : i32
    %dma_wait3A_198 = tpu.memref_slice %arg6[%dma_wait3A_195, %dma_wait3A_196, %dma_wait3A_197] : memref<2x128x128xf32, #tpu.memory_space<vmem>> -> memref<1x128x128xf32, #tpu.memory_space<vmem>>
    %dma_wait3A_199 = tpu.memref_squeeze %dma_wait3A_198 : memref<1x128x128xf32, #tpu.memory_space<vmem>> -> memref<128x128xf32, #tpu.memory_space<vmem>>
    %dma_wait3A_200 = arith.constant 0 : i32
    %dma_wait3A_201 = tpu.memref_slice %arg4[%add3A_89, %dma_wait3A_200] : memref<16384x128xf32, #tpu.memory_space<hbm>> -> memref<128x128xf32, #tpu.memory_space<hbm>>
    %dma_wait3A_202 = arith.constant 0 : i32
    %dma_wait3A_203 = tpu.memref_slice %arg4[%add3A_89, %dma_wait3A_202] : memref<16384x128xf32, #tpu.memory_space<hbm>> -> memref<128x128xf32, #tpu.memory_space<hbm>>
    %dma_wait3A_204 = arith.constant 0 : i32
    %dma_wait3A_205 = arith.constant 0 : i32
    %dma_wait3A_206 = tpu.memref_slice %arg6[%dma_wait3A_195, %dma_wait3A_204, %dma_wait3A_205] : memref<2x128x128xf32, #tpu.memory_space<vmem>> -> memref<1x128x128xf32, #tpu.memory_space<vmem>>
    %dma_wait3A_207 = tpu.memref_squeeze %dma_wait3A_206 : memref<1x128x128xf32, #tpu.memory_space<vmem>> -> memref<128x128xf32, #tpu.memory_space<vmem>>
    tpu.wait_dma2 semaphore(%arg10 : memref<!tpu.dma_semaphore, #tpu.memory_space<semaphore_mem>>) src(%dma_wait3A_207 : memref<128x128xf32, #tpu.memory_space<vmem>>) dst(%dma_wait3A_203 : memref<128x128xf32, #tpu.memory_space<hbm>>)
    %add3A_208 = arith.constant 256 : i32
    %add3A_209 = arith.addi %mul3A_2, %add3A_208 : i32
    %dma_start3A_210 = arith.constant 0 : i32
    %dma_start3A_211 = arith.constant 0 : i32
    %dma_start3A_212 = arith.constant 0 : i32
    %dma_start3A_213 = tpu.memref_slice %arg6[%dma_start3A_210, %dma_start3A_211, %dma_start3A_212] : memref<2x128x128xf32, #tpu.memory_space<vmem>> -> memref<1x128x128xf32, #tpu.memory_space<vmem>>
    %dma_start3A_214 = tpu.memref_squeeze %dma_start3A_213 : memref<1x128x128xf32, #tpu.memory_space<vmem>> -> memref<128x128xf32, #tpu.memory_space<vmem>>
    %dma_start3A_215 = arith.constant 0 : i32
    %dma_start3A_216 = tpu.memref_slice %arg4[%add3A_209, %dma_start3A_215] : memref<16384x128xf32, #tpu.memory_space<hbm>> -> memref<128x128xf32, #tpu.memory_space<hbm>>
    %dma_start3A_217 = arith.constant 0 : i32
    %dma_start3A_218 = tpu.memref_slice %arg4[%add3A_209, %dma_start3A_217] : memref<16384x128xf32, #tpu.memory_space<hbm>> -> memref<128x128xf32, #tpu.memory_space<hbm>>
    %dma_start3A_219 = arith.constant 0 : i32
    %dma_start3A_220 = arith.constant 0 : i32
    %dma_start3A_221 = tpu.memref_slice %arg6[%dma_start3A_210, %dma_start3A_219, %dma_start3A_220] : memref<2x128x128xf32, #tpu.memory_space<vmem>> -> memref<1x128x128xf32, #tpu.memory_space<vmem>>
    %dma_start3A_222 = tpu.memref_squeeze %dma_start3A_221 : memref<1x128x128xf32, #tpu.memory_space<vmem>> -> memref<128x128xf32, #tpu.memory_space<vmem>>
    tpu.enqueue_dma source(%dma_start3A_222 : memref<128x128xf32, #tpu.memory_space<vmem>>) target(%dma_start3A_218 : memref<128x128xf32, #tpu.memory_space<hbm>>) target_semaphore(%arg10 : memref<!tpu.dma_semaphore, #tpu.memory_space<semaphore_mem>>)
    %dma_wait3A_223 = arith.constant 1 : i32
    %dma_wait3A_224 = arith.constant 1 : i32
    %dma_wait3A_225 = arith.constant 0 : i32
    %dma_wait3A_226 = arith.constant 0 : i32
    %dma_wait3A_227 = tpu.memref_slice %arg6[%dma_wait3A_224, %dma_wait3A_225, %dma_wait3A_226] : memref<2x128x128xf32, #tpu.memory_space<vmem>> -> memref<1x128x128xf32, #tpu.memory_space<vmem>>
    %dma_wait3A_228 = tpu.memref_squeeze %dma_wait3A_227 : memref<1x128x128xf32, #tpu.memory_space<vmem>> -> memref<128x128xf32, #tpu.memory_space<vmem>>
    %dma_wait3A_229 = arith.constant 0 : i32
    %dma_wait3A_230 = tpu.memref_slice %arg5[%dma_wait3A_223, %dma_wait3A_229] : memref<2x128xi32, #tpu.memory_space<vmem>> -> memref<1x128xi32, #tpu.memory_space<vmem>>
    %dma_wait3A_231 = tpu.memref_squeeze %dma_wait3A_230 : memref<1x128xi32, #tpu.memory_space<vmem>> -> memref<128xi32, #tpu.memory_space<vmem>>
    %dma_wait3A_232 = arith.constant 0 : i32
    %dma_wait3A_233 = arith.constant 0 : i32
    %dma_wait3A_234 = tpu.memref_slice %arg3[%dma_wait3A_232, %dma_wait3A_233] : memref<1000000x128xf32, #tpu.memory_space<hbm>> -> memref<1000000x128xf32, #tpu.memory_space<hbm>>
    tpu.wait_indirect_dma semaphore(%arg9 : memref<!tpu.dma_semaphore, #tpu.memory_space<semaphore_mem>>) src(%dma_wait3A_234 : memref<1000000x128xf32, #tpu.memory_space<hbm>>) dst(%dma_wait3A_228 : memref<128x128xf32, #tpu.memory_space<vmem>>)
    %dma_wait3A_235 = arith.constant 1 : i32
    %dma_wait3A_236 = arith.constant 0 : i32
    %dma_wait3A_237 = arith.constant 0 : i32
    %dma_wait3A_238 = tpu.memref_slice %arg6[%dma_wait3A_235, %dma_wait3A_236, %dma_wait3A_237] : memref<2x128x128xf32, #tpu.memory_space<vmem>> -> memref<1x128x128xf32, #tpu.memory_space<vmem>>
    %dma_wait3A_239 = tpu.memref_squeeze %dma_wait3A_238 : memref<1x128x128xf32, #tpu.memory_space<vmem>> -> memref<128x128xf32, #tpu.memory_space<vmem>>
    %dma_wait3A_240 = arith.constant 0 : i32
    %dma_wait3A_241 = tpu.memref_slice %arg4[%add3A_148, %dma_wait3A_240] : memref<16384x128xf32, #tpu.memory_space<hbm>> -> memref<128x128xf32, #tpu.memory_space<hbm>>
    %dma_wait3A_242 = arith.constant 0 : i32
    %dma_wait3A_243 = tpu.memref_slice %arg4[%add3A_148, %dma_wait3A_242] : memref<16384x128xf32, #tpu.memory_space<hbm>> -> memref<128x128xf32, #tpu.memory_space<hbm>>
    %dma_wait3A_244 = arith.constant 0 : i32
    %dma_wait3A_245 = arith.constant 0 : i32
    %dma_wait3A_246 = tpu.memref_slice %arg6[%dma_wait3A_235, %dma_wait3A_244, %dma_wait3A_245] : memref<2x128x128xf32, #tpu.memory_space<vmem>> -> memref<1x128x128xf32, #tpu.memory_space<vmem>>
    %dma_wait3A_247 = tpu.memref_squeeze %dma_wait3A_246 : memref<1x128x128xf32, #tpu.memory_space<vmem>> -> memref<128x128xf32, #tpu.memory_space<vmem>>
    tpu.wait_dma2 semaphore(%arg11 : memref<!tpu.dma_semaphore, #tpu.memory_space<semaphore_mem>>) src(%dma_wait3A_247 : memref<128x128xf32, #tpu.memory_space<vmem>>) dst(%dma_wait3A_243 : memref<128x128xf32, #tpu.memory_space<hbm>>)
    %add3A_248 = arith.constant 384 : i32
    %add3A_249 = arith.addi %mul3A_2, %add3A_248 : i32
    %dma_start3A_250 = arith.constant 1 : i32
    %dma_start3A_251 = arith.constant 0 : i32
    %dma_start3A_252 = arith.constant 0 : i32
    %dma_start3A_253 = tpu.memref_slice %arg6[%dma_start3A_250, %dma_start3A_251, %dma_start3A_252] : memref<2x128x128xf32, #tpu.memory_space<vmem>> -> memref<1x128x128xf32, #tpu.memory_space<vmem>>
    %dma_start3A_254 = tpu.memref_squeeze %dma_start3A_253 : memref<1x128x128xf32, #tpu.memory_space<vmem>> -> memref<128x128xf32, #tpu.memory_space<vmem>>
    %dma_start3A_255 = arith.constant 0 : i32
    %dma_start3A_256 = tpu.memref_slice %arg4[%add3A_249, %dma_start3A_255] : memref<16384x128xf32, #tpu.memory_space<hbm>> -> memref<128x128xf32, #tpu.memory_space<hbm>>
    %dma_start3A_257 = arith.constant 0 : i32
    %dma_start3A_258 = tpu.memref_slice %arg4[%add3A_249, %dma_start3A_257] : memref<16384x128xf32, #tpu.memory_space<hbm>> -> memref<128x128xf32, #tpu.memory_space<hbm>>
    %dma_start3A_259 = arith.constant 0 : i32
    %dma_start3A_260 = arith.constant 0 : i32
    %dma_start3A_261 = tpu.memref_slice %arg6[%dma_start3A_250, %dma_start3A_259, %dma_start3A_260] : memref<2x128x128xf32, #tpu.memory_space<vmem>> -> memref<1x128x128xf32, #tpu.memory_space<vmem>>
    %dma_start3A_262 = tpu.memref_squeeze %dma_start3A_261 : memref<1x128x128xf32, #tpu.memory_space<vmem>> -> memref<128x128xf32, #tpu.memory_space<vmem>>
    tpu.enqueue_dma source(%dma_start3A_262 : memref<128x128xf32, #tpu.memory_space<vmem>>) target(%dma_start3A_258 : memref<128x128xf32, #tpu.memory_space<hbm>>) target_semaphore(%arg11 : memref<!tpu.dma_semaphore, #tpu.memory_space<semaphore_mem>>)
    %dma_wait3A_263 = arith.constant 0 : i32
    %dma_wait3A_264 = arith.constant 0 : i32
    %dma_wait3A_265 = arith.constant 0 : i32
    %dma_wait3A_266 = tpu.memref_slice %arg6[%dma_wait3A_263, %dma_wait3A_264, %dma_wait3A_265] : memref<2x128x128xf32, #tpu.memory_space<vmem>> -> memref<1x128x128xf32, #tpu.memory_space<vmem>>
    %dma_wait3A_267 = tpu.memref_squeeze %dma_wait3A_266 : memref<1x128x128xf32, #tpu.memory_space<vmem>> -> memref<128x128xf32, #tpu.memory_space<vmem>>
    %dma_wait3A_268 = arith.constant 0 : i32
    %dma_wait3A_269 = tpu.memref_slice %arg4[%add3A_209, %dma_wait3A_268] : memref<16384x128xf32, #tpu.memory_space<hbm>> -> memref<128x128xf32, #tpu.memory_space<hbm>>
    %dma_wait3A_270 = arith.constant 0 : i32
    %dma_wait3A_271 = tpu.memref_slice %arg4[%add3A_209, %dma_wait3A_270] : memref<16384x128xf32, #tpu.memory_space<hbm>> -> memref<128x128xf32, #tpu.memory_space<hbm>>
    %dma_wait3A_272 = arith.constant 0 : i32
    %dma_wait3A_273 = arith.constant 0 : i32
    %dma_wait3A_274 = tpu.memref_slice %arg6[%dma_wait3A_263, %dma_wait3A_272, %dma_wait3A_273] : memref<2x128x128xf32, #tpu.memory_space<vmem>> -> memref<1x128x128xf32, #tpu.memory_space<vmem>>
    %dma_wait3A_275 = tpu.memref_squeeze %dma_wait3A_274 : memref<1x128x128xf32, #tpu.memory_space<vmem>> -> memref<128x128xf32, #tpu.memory_space<vmem>>
    tpu.wait_dma2 semaphore(%arg10 : memref<!tpu.dma_semaphore, #tpu.memory_space<semaphore_mem>>) src(%dma_wait3A_275 : memref<128x128xf32, #tpu.memory_space<vmem>>) dst(%dma_wait3A_271 : memref<128x128xf32, #tpu.memory_space<hbm>>)
    %dma_wait3A_276 = arith.constant 1 : i32
    %dma_wait3A_277 = arith.constant 0 : i32
    %dma_wait3A_278 = arith.constant 0 : i32
    %dma_wait3A_279 = tpu.memref_slice %arg6[%dma_wait3A_276, %dma_wait3A_277, %dma_wait3A_278] : memref<2x128x128xf32, #tpu.memory_space<vmem>> -> memref<1x128x128xf32, #tpu.memory_space<vmem>>
    %dma_wait3A_280 = tpu.memref_squeeze %dma_wait3A_279 : memref<1x128x128xf32, #tpu.memory_space<vmem>> -> memref<128x128xf32, #tpu.memory_space<vmem>>
    %dma_wait3A_281 = arith.constant 0 : i32
    %dma_wait3A_282 = tpu.memref_slice %arg4[%add3A_249, %dma_wait3A_281] : memref<16384x128xf32, #tpu.memory_space<hbm>> -> memref<128x128xf32, #tpu.memory_space<hbm>>
    %dma_wait3A_283 = arith.constant 0 : i32
    %dma_wait3A_284 = tpu.memref_slice %arg4[%add3A_249, %dma_wait3A_283] : memref<16384x128xf32, #tpu.memory_space<hbm>> -> memref<128x128xf32, #tpu.memory_space<hbm>>
    %dma_wait3A_285 = arith.constant 0 : i32
    %dma_wait3A_286 = arith.constant 0 : i32
    %dma_wait3A_287 = tpu.memref_slice %arg6[%dma_wait3A_276, %dma_wait3A_285, %dma_wait3A_286] : memref<2x128x128xf32, #tpu.memory_space<vmem>> -> memref<1x128x128xf32, #tpu.memory_space<vmem>>
    %dma_wait3A_288 = tpu.memref_squeeze %dma_wait3A_287 : memref<1x128x128xf32, #tpu.memory_space<vmem>> -> memref<128x128xf32, #tpu.memory_space<vmem>>
    tpu.wait_dma2 semaphore(%arg11 : memref<!tpu.dma_semaphore, #tpu.memory_space<semaphore_mem>>) src(%dma_wait3A_288 : memref<128x128xf32, #tpu.memory_space<vmem>>) dst(%dma_wait3A_284 : memref<128x128xf32, #tpu.memory_space<hbm>>)
    return
  }
}

module attributes {stable_mosaic.version = 14 : i64} {
  func.func @_math_body(%arg0: i32, %arg1: memref<1x2xf32, #tpu.memory_space<smem>>, %arg2: memref<8192x128xf32, #tpu.memory_space<vmem>>, %arg3: memref<8192x128xf32, #tpu.memory_space<vmem>>, %arg4: memref<8192x128xf32, #tpu.memory_space<vmem>>, %arg5: memref<8192xf32, #tpu.memory_space<vmem>>, %arg6: memref<8192x128xf32, #tpu.memory_space<vmem>>) attributes {dimension_semantics = [#tpu.dimension_semantics<arbitrary>], iteration_bounds = array<i64: 2>, scalar_prefetch = 0 : i64, scratch_operands = 0 : i64, tpu.core_type = #tpu.core_type<tc>, window_params = [{transform_indices = @transform_0, window_bounds = array<i64: 1, 2>}, {transform_indices = @transform_1, window_bounds = array<i64: 8192, 128>}, {transform_indices = @transform_2, window_bounds = array<i64: 8192, 128>}, {transform_indices = @transform_3, window_bounds = array<i64: 8192, 128>}, {transform_indices = @transform_4, window_bounds = array<i64: 8192>}, {transform_indices = @transform_5, window_bounds = array<i64: 8192, 128>}]} {
    %get3A = arith.constant 0 : index
    %get3A_0 = arith.constant 0 : index
    %get3A_1 = memref.load %arg1[%get3A, %get3A_0] : memref<1x2xf32, #tpu.memory_space<smem>>
    %get3A_2 = arith.constant 0 : index
    %get3A_3 = arith.constant 1 : index
    %get3A_4 = memref.load %arg1[%get3A_2, %get3A_3] : memref<1x2xf32, #tpu.memory_space<smem>>
    %get3A_5 = arith.constant 0 : index
    %get3A_6 = arith.constant 0 : index
    %get3A_7 = vector.load %arg2[%get3A_5, %get3A_6] : memref<8192x128xf32, #tpu.memory_space<vmem>>, vector<8192x128xf32>
    %jit3A = arith.constant 5.000000e-03 : f32
    %jit3A_8 = arith.constant 5.000000e-02 : f32
    %max3A = vector.broadcast %jit3A : f32 to vector<8192x128xf32>
    %max3A_9 = arith.maximumf %max3A, %get3A_7 : vector<8192x128xf32>
    %min3A = vector.broadcast %jit3A_8 : f32 to vector<8192x128xf32>
    %min3A_10 = arith.minimumf %min3A, %max3A_9 : vector<8192x128xf32>
    %get3A_11 = arith.constant 0 : index
    %get3A_12 = arith.constant 0 : index
    %get3A_13 = vector.load %arg4[%get3A_11, %get3A_12] : memref<8192x128xf32, #tpu.memory_space<vmem>>, vector<8192x128xf32>
    %log1p3A = math.log1p %get3A_13 : vector<8192x128xf32>
    %mul3A = vector.broadcast %get3A_1 : f32 to vector<8192x128xf32>
    %mul3A_14 = arith.mulf %mul3A, %log1p3A : vector<8192x128xf32>
    %add3A = arith.constant 1.000000e+00 : f32
    %add3A_15 = vector.broadcast %add3A : f32 to vector<8192x128xf32>
    %add3A_16 = arith.addf %add3A_15, %mul3A_14 : vector<8192x128xf32>
    %get3A_17 = arith.constant 0 : index
    %get3A_18 = vector.load %arg5[%get3A_17] : memref<8192xf32, #tpu.memory_space<vmem>>, vector<8192xf32>
    %jit3A_19 = arith.constant 0.000000e+00 : f32
    %jit3A_20 = arith.constant 1.000000e+00 : f32
    %max3A_21 = vector.broadcast %jit3A_19 : f32 to vector<8192xf32>
    %max3A_22 = arith.maximumf %max3A_21, %get3A_18 : vector<8192xf32>
    %min3A_23 = vector.broadcast %jit3A_20 : f32 to vector<8192xf32>
    %min3A_24 = arith.minimumf %min3A_23, %max3A_22 : vector<8192xf32>
    %mul3A_25 = vector.broadcast %get3A_4 : f32 to vector<8192xf32>
    %mul3A_26 = arith.mulf %mul3A_25, %min3A_24 : vector<8192xf32>
    %add3A_27 = arith.constant 1.000000e+00 : f32
    %add3A_28 = vector.broadcast %add3A_27 : f32 to vector<8192xf32>
    %add3A_29 = arith.addf %add3A_28, %mul3A_26 : vector<8192xf32>
    %broadcast_in_dim3A = vector.shape_cast %add3A_29 : vector<8192xf32> to vector<8192x1xf32>
    %mul3A_30 = vector.broadcast %broadcast_in_dim3A : vector<8192x1xf32> to vector<8192x128xf32>
    %mul3A_31 = arith.mulf %add3A_16, %mul3A_30 : vector<8192x128xf32>
    %get3A_32 = arith.constant 0 : index
    %get3A_33 = arith.constant 0 : index
    %get3A_34 = vector.load %arg3[%get3A_32, %get3A_33] : memref<8192x128xf32, #tpu.memory_space<vmem>>, vector<8192x128xf32>
    %mul3A_35 = arith.mulf %min3A_10, %get3A_34 : vector<8192x128xf32>
    %mul3A_36 = arith.constant -1.15740741E-5 : f32
    %mul3A_37 = vector.broadcast %mul3A_36 : f32 to vector<8192x128xf32>
    %mul3A_38 = arith.mulf %mul3A_35, %mul3A_37 : vector<8192x128xf32>
    %div3A = arith.divf %mul3A_38, %mul3A_31 : vector<8192x128xf32>
    %exp3A = math.exp %div3A : vector<8192x128xf32>
    %swap3A = arith.constant 0 : index
    %swap3A_39 = arith.constant 0 : index
    %swap3A_40 = vector.load %arg6[%swap3A, %swap3A_39] : memref<8192x128xf32, #tpu.memory_space<vmem>>, vector<8192x128xf32>
    tpu.vector_store %arg6[%swap3A, %swap3A_39], %exp3A {strides = array<i32>} : memref<8192x128xf32, #tpu.memory_space<vmem>>, vector<8192x128xf32>,
    return
  }
  func.func @transform_0(%arg0: i32) -> (i32, i32) {
    %c0_i32 = arith.constant 0 : i32
    %c0_i32_0 = arith.constant 0 : i32
    %c0_i32_1 = arith.constant 0 : i32
    return %c0_i32, %c0_i32_0 : i32, i32
  }
  func.func @transform_1(%arg0: i32) -> (i32, i32) {
    %c0_i32 = arith.constant 0 : i32
    %c0_i32_0 = arith.constant 0 : i32
    return %arg0, %c0_i32 : i32, i32
  }
  func.func @transform_2(%arg0: i32) -> (i32, i32) {
    %c0_i32 = arith.constant 0 : i32
    %c0_i32_0 = arith.constant 0 : i32
    return %arg0, %c0_i32 : i32, i32
  }
  func.func @transform_3(%arg0: i32) -> (i32, i32) {
    %c0_i32 = arith.constant 0 : i32
    %c0_i32_0 = arith.constant 0 : i32
    return %arg0, %c0_i32 : i32, i32
  }
  func.func @transform_4(%arg0: i32) -> i32 {
    %c0_i32 = arith.constant 0 : i32
    return %arg0 : i32
  }
  func.func @transform_5(%arg0: i32) -> (i32, i32) {
    %c0_i32 = arith.constant 0 : i32
    %c0_i32_0 = arith.constant 0 : i32
    return %arg0, %c0_i32 : i32, i32
  }
}

</mosaic_0001>

<sc_bundles>
// kernel: kernel.4.cloned.1.call-start
scs
__scs_entry_jumppad:
0x0: {  	(pc) =	sbr.rel $0x88, $3  }
0x1: {  	(tag) =	ssettag $0x0;
	lr =	simm.s32 $0x1  }
0x2: {  	[smem:$0x3F9A] =	sst lr;
	_ =	strace $0xD0000000  }
0x3: {  	_ = 	snop  }
0x4: {  	_ = 	snop  }
0x5: {  	_ = 	snop  }
0x6: {  	_ = 	snop  }
0x7: {  	_ = 	snop  }
__scs_overlays_trampoline_lowered:
0x8: {  	[smem:$0x3FA9] =	sst s0  }
0x9: {  	[smem:$0x3FAA] =	sst s1  }
0xa: {  	[smem:$0x3FAB] =	sst s2  }
0xb: {  	[smem:$0x3FAC] =	sst s3  }
0xc: {  	[smem:$0x3FAD] =	sst s4  }
0xd: {  	[smem:$0x3FAE] =	sst s5  }
0xe: {  	[smem:$0x3FAF] =	sst s6  }
0xf: {  	[smem:$0x3FB0] =	sst s7  }
0x10: {  	[smem:$0x3FB1] =	sst s8  }
0x11: {  	[smem:$0x3FB2] =	sst s9;
	s0 =	simm.s32 @!p0 $0x0  }
0x12: {  	s1 =	sld [smem:$0x3F98];
	s0 =	simm.s32 @p0 $0x1  }
0x13: {  	[smem:$0x3FB3] =	sst s0;
	s0 =	simm.s32 @!p1 $0x0  }
0x14: {  	s2 =	sld [smem:$0x3F97];
	s0 =	simm.s32 @p1 $0x1  }
0x15: {  	[smem:$0x3FB4] =	sst s0;
	s0 =	simm.s32 @!p2 $0x0  }
0x16: {  	s3 =	sld [smem:$0x3FDB];
	s0 =	simm.s32 @p2 $0x1  }
0x17: {  	s4 =	simm.s32 $0x1BF5;
	[smem:$0x3FB6] =	sst s0  }
0x18: {  	s0 =	sld [smem:$0x3F99];
	_ =	swait.ge [sflag:s4], $0x0  }
0x19: {  	s7 =	sld [smem:$0x3F9A]  }
0x1a: {  	s8 =	sadd.s32 $0xFFFFE003, lr  }
0x1b: {  	s9 =	sadd.s32 $0xFFFFFEF7, lr;
	s5 =	simm.s32 $0xFFFFFFFF;
	p2 =	slt.u32 s8, $0xFFFFF086  }
0x1c: {  	p1 =	slt.u32 s9, $0xF7A;
	s5 =	simm.s32 @!p2 $0x0  }
0x1d: {  	s5 =	simm.s32 @p1 $0x1;
	p0 =	seq.s32 s7, s2  }
0x1e: {  	s7 =	smul.u32 @!p0 $0xF7A, s2;
	p2 =	seq.s32 @!p0 s5, $0x0  }
0x1f: {  	s9 =	smul.u32 $0xF7A, s1;
	s8 =	simm.s32 @!p0 $0x1BF5;
	p2 =	por !p2, p0  }
0x20: {  	[sflag:s8] =	ssyncset.s32 @!p0 $0xFFFFF086;
	s6 =	sadd.s32 @!p0 s3, s7;
	s7 =	simm.s32 @!p0 $0x108  }
0x21: {  	s3 =	sadd.s32 s3, s9;
	s6 =	sadd.s32 @!p0 $0x88, s6;
	s7 =	simm.s32 @p2 $0x1082  }
0x22: {  	[simem:s7], [sflag:s8] =	dma.local @!p0 [hbm:s6], $0xF7A  }
0x23: {  	s9 =	sor.u32 $0xD0000000, s2;
	s6 =	simm.s32 $0x108;
	_ =	swait.ge @!p0 [sflag:s8], $0x0  }
0x24: {  	s3 =	sadd.s32 $0x88, s3;
	s6 =	simm.s32 @!p1 $0x1082;
	[sflag:s4] =	ssyncset.s32 $0xFFFFF086  }
0x25: {  	[simem:s6], [sflag:s4] =	dma.local [hbm:s3], $0xF7A  }
0x26: {  	[smem:$0x3F9A] =	sst s1;
	(tag) =	ssettag s2;
	_ =	strace s9  }
0x27: {  	s1 =	sld [smem:$0x3FAA]  }
0x28: {  	s2 =	sld [smem:$0x3FAB]  }
0x29: {  	s4 =	sld [smem:$0x3FAD]  }
0x2a: {  	p0 =	seq.s32 s5, $0x0;
	s5 =	sld [smem:$0x3FAE]  }
0x2b: {  	s6 =	sld [smem:$0x3FAF]  }
0x2c: {  	s7 =	sld [smem:$0x3FB0]  }
0x2d: {  	s3 =	simm.s32 $0x108;
	s8 =	sld [smem:$0x3FB1]  }
0x2e: {  	s3 =	simm.s32 @!p0 $0x1082;
	s9 =	sld [smem:$0x3FB2]  }
0x2f: {  	lr =	sadd.s32 s0, s3;
	s0 =	sld [smem:$0x3FA9]  }
0x30: {  	s3 =	sld [smem:$0x3FAC]  }
0x31: {  	[smem:$0x3FB5] =	sst s10  }
0x32: {  	s10 =	sld [smem:$0x3FB3];
	_ =	sdelay $0x3  }
0x33: {  	p0 =	seq.s32 s10, $0x1;
	s10 =	sld [smem:$0x3FB5];
	_ =	sdelay $0x3  }
0x34: {  	[smem:$0x3FB5] =	sst s10  }
0x35: {  	s10 =	sld [smem:$0x3FB4];
	_ =	sdelay $0x3  }
0x36: {  	p1 =	seq.s32 s10, $0x1;
	s10 =	sld [smem:$0x3FB5];
	_ =	sdelay $0x3  }
0x37: {  	[smem:$0x3FB5] =	sst s10  }
0x38: {  	s10 =	sld [smem:$0x3FB6]  }
0x39: {  	_ = 	snop;
	(pc) =	sbr.ind lr, $3  }
0x3a: {  	_ = 	snop  }
0x3b: {  	_ = 	snop  }
0x3c: {  	p2 =	seq.s32 s10, $0x1;
	s10 =	sld [smem:$0x3FB5]  }
0x3d: {  	_ =	shalt  }
0x3e: {  	_ =	shalt  }
0x3f: {  	_ =	shalt  }
0x40: {  	_ =	shalt  }
0x41: {  	_ =	shalt  }
0x42: {  	_ =	shalt  }
0x43: {  	_ =	shalt  }
0x44: {  	_ =	shalt  }
0x45: {  	_ =	shalt  }
0x46: {  	_ =	shalt  }
0x47: {  	_ =	shalt  }
0x48: {  	_ =	shalt  }
0x49: {  	_ =	shalt  }
0x4a: {  	_ =	shalt  }
0x4b: {  	_ =	shalt  }
0x4c: {  	_ =	shalt  }
0x4d: {  	_ =	shalt  }
0x4e: {  	_ =	shalt  }
0x4f: {  	_ =	shalt  }
0x50: {  	_ =	shalt  }
0x51: {  	_ =	shalt  }
0x52: {  	_ =	shalt  }
0x53: {  	_ =	shalt  }
0x54: {  	_ =	shalt  }
0x55: {  	_ =	shalt  }
0x56: {  	_ =	shalt  }
0x57: {  	_ =	shalt  }
0x58: {  	_ =	shalt  }
0x59: {  	_ =	shalt  }
0x5a: {  	_ =	shalt  }
0x5b: {  	_ =	shalt  }
0x5c: {  	_ =	shalt  }
0x5d: {  	_ =	shalt  }
0x5e: {  	_ =	shalt  }
0x5f: {  	_ =	shalt  }
0x60: {  	_ =	shalt  }
0x61: {  	_ =	shalt  }
0x62: {  	_ =	shalt  }
0x63: {  	_ =	shalt  }
0x64: {  	_ =	shalt  }
0x65: {  	_ =	shalt  }
0x66: {  	_ =	shalt  }
0x67: {  	_ =	shalt  }
0x68: {  	_ =	shalt  }
0x69: {  	_ =	shalt  }
0x6a: {  	_ =	shalt  }
0x6b: {  	_ =	shalt  }
0x6c: {  	_ =	shalt  }
0x6d: {  	_ =	shalt  }
0x6e: {  	_ =	shalt  }
0x6f: {  	_ =	shalt  }
0x70: {  	_ =	shalt  }
0x71: {  	_ =	shalt  }
0x72: {  	_ =	shalt  }
0x73: {  	_ =	shalt  }
0x74: {  	_ =	shalt  }
0x75: {  	_ =	shalt  }
0x76: {  	_ =	shalt  }
0x77: {  	_ =	shalt  }
0x78: {  	_ =	shalt  }
0x79: {  	_ =	shalt  }
0x7a: {  	_ =	shalt  }
0x7b: {  	_ =	shalt  }
0x7c: {  	_ =	shalt  }
0x7d: {  	_ =	shalt  }
0x7e: {  	_ =	shalt  }
0x7f: {  	_ =	shalt  }
0x80: {  	_ =	shalt  }
0x81: {  	_ =	shalt  }
0x82: {  	_ =	shalt  }
0x83: {  	_ =	shalt  }
0x84: {  	_ =	shalt  }
0x85: {  	_ =	shalt  }
0x86: {  	_ =	shalt  }
0x87: {  	_ =	shalt  }
.Lfunc_end0:
.L_simem_size_0:
called_computation_lowered:
.L_overlay_start_0:
0x88: {  	s2 =	sld [smem:$0x3FD9]  }
0x89: {  	s3 =	sld [smem:$0x3FFE];
	_ =	sdelay $0x1  }
0x8a: {  	s1 =	srdreg.scid  }
0x8b: {  	s0 =	sand.u32 $0x1, s1  }
0x8c: {  	s18 =	sshll.u32 s0, $0xA;
	s2 =	sadd.s32 s3, s2  }
0x8d: {  	s2 =	sadd.s32 s2, s18  }
0x8e: {  	[smem:$0x3FC1] =	sst s2  }
0x8f: {  	_ = 	snop  }
0x90: {  	s2 =	sld [smem:$0x3FC9]  }
0x91: {  	s19 =	sld [smem:$0x3FC5]  }
0x92: {  	s4 =	sld [smem:$0x3FD0];
	(tm) =	ssettm $0x1  }
0x93: {  	s5 =	sld [smem:$0x3FFB];
	_ =	sdelay $0x3  }
0x94: {  	_ =	strace s5  }
0x95: {  	s5 =	sld [smem:$0x3FFC];
	_ =	sdelay $0x3  }
0x96: {  	_ =	strace s5  }
0x97: {  	s5 =	sld [smem:$0x3FFD];
	_ =	sdelay $0x3  }
0x98: {  	_ =	strace s5  }
0x99: {  	_ =	strace $0x8FFFFFFF  }
0x9a: {  	s20 =	sld [smem:$0x3FDB];
	_ =	sdelay $0x1  }
0x9b: {  	s6 =	simm.s32 $_scs_section_size  }
0x9c: {  	s7 =	simm.s32 $_size__tile_overlayer_lowered;
	s8 =	simm.s32 $_tile_overlayer_lowered  }
0x9d: {  	s23 =	simm.s32 $0x1BFF;
	s22 =	sshll.u32 s8, $0x1;
	s5 =	sadd.s32 s6, s20  }
0x9e: {  	s9 =	simm.s32 $0x0;
	s21 =	sshll.u32 s7, $0x1;
	s7 =	sadd.s32 s22, s5  }
0x9f: {  	[timem:s9], [sflag:s23] =	dma.local [hbm:s7], s21  }
0xa0: {  	_ =	swait.ge [sflag:s23], s21  }
0xa1: {  	s6 =	ssub.s32 $0x0, s21;
	[sflag:s23] =	ssyncset.done $0x0  }
0xa2: {  	[sflag:s23] =	ssyncadd.s32 s6;
	_ =	sdelay $0x1  }
0xa3: {  	s24 =	simm.s32 $0x1B8B  }
0xa4: {  	_ =	swait.ge [sflag:s24], $0x1  }
0xa5: {  	[sflag:s24] =	ssyncset.done $0x0  }
0xa6: {  	s25 =	simm.s32 $0x1B8E;
	[sflag:s24] =	ssyncadd.s32 $0xFFFFFFFF  }
0xa7: {  	s26 =	simm.s32 $execute0_lowered;
	[smem:$0x3FD2] =	sst s25  }
0xa8: {  	s6 =	sshll.u32 s26, $0x1;
	_ =	strace $0x80000046;
	[dreg:$0x1] =	wrdreg $0xFFFFFFFF  }
0xa9: {  	s28 =	simm.s32 $_size_execute0_lowered;
	s5 =	sadd.s32 s5, s6;
	[dreg:$0x0] =	wrdreg $0x0  }
0xaa: {  	s6 =	sshll.u32 s28, $0x1;
	[dreg:$0x2] =	wrdreg s5  }
0xab: {  	[dreg:$0x3] =	wrdreg s6  }
0xac: {  	[dreg:$0x4] =	wrdreg $0xC0  }
0xad: {  	_ =	task [dreg:s9], $0x5FFFF  }
0xae: {  	[dreg:$0x1] =	wrdreg $0xFFFFFFFF  }
0xaf: {  	[dreg:$0x0] =	wrdreg $0x60  }
0xb0: {  	[dreg:$0x2] =	wrdreg s2  }
0xb1: {  	[dreg:$0x3] =	wrdreg s19  }
0xb2: {  	[dreg:$0x4] =	wrdreg s4  }
0xb3: {  	[dreg:$0x5] =	wrdreg $0x9  }
0xb4: {  	_ =	task.clear_ibuf [dreg:s9], $0x6FFFF;
	_ =	strace $0x90000046  }
0xb5: {  	s29 =	simm.s32 $0x9;
	_ =	strace $0x80000048  }
0xb6: {  	_ =	swait.ge [sflag:s29], $0x1  }
0xb7: {  	[sflag:s29] =	ssyncadd.s32 $0xFFFFFFFF  }
0xb8: {  	_ =	strace $0x90000048  }
0xb9: {  	_ =	sfence  }
0xba: {  	s30 =	sld [smem:$0x0];
	_ =	sdelay $0x2  }
0xbb: {  	s31 =	sshll.u32 s1, $0xD;
	s1 =	sshrl.u32 s1, $0x2  }
0xbc: {  	s3 =	sand.u32 $0x4000, s31;
	s1 =	sadd.s32 s1, s30  }
0xbd: {  	s0 =	sor.u32 s3, s0;
	s1 =	sshll.u32 s1, $0x11  }
0xbe: {  	s0 =	sor.u32 s1, s0  }
0xbf: {  	s0 =	sadd.s32 $0x8F2B, s0  }
0xc0: {  	[sflag:s0] =	ssyncadd.remote.s32 $0x1  }
0xc1: {  	_ =	sfence.sel $0xFFFF  }
0xc2: {  	[dreg:$0x0] =	wrdreg $0xFFFFFFFF;
	(pc) =	sbr.abs _section_cstart, $3  }
0xc3: {  	[dreg:$0x1] =	wrdreg $0xFFFFFFFF  }
0xc4: {  	_ =	task.clear_ibuf [dreg:s9], $0x2FFFF;
	_ =	strace $0x9FFFFFFF  }
0xc5: {  	(tm) =	ssettm $0x7FFFFFFF  }
tec
execute0_lowered:
.L_overlay_start_1:
0x0: {  	(tag) =	ssettag $0x1  }
0x1: {  	s13 =	rddreg [dreg:$0x0];
	s1 =	srdreg.scid  }
0x2: {  	s2 =	rddreg [dreg:$0x1];
	s0 =	stileid.u32;
	s20 =	sand.u32 $0x1, s1  }
0x3: {  	s19 =	rddreg [dreg:$0x2];
	s4 =	sshll.u32 s0, $0xA;
	s5 =	sshll.u32 s20, $0x9  }
0x4: {  	s3 =	simm.s32 $0x0;
	s1 =	rddreg [dreg:$0x3];
	s14 =	sor.u32 s5, s4  }
0x5: {  	[smem:$0x7FF] =	sst s3;
	s4 =	sshrl.u32 s14, $0x3;
	s15 =	sor.u32 $0x80, s14  }
0x6: {  	_ =	strace $0x80000047;
	s4 =	sadd.s32 s13, s4;
	s30 =	sshrl.u32 s15, $0x3  }
0x7: {  	[tilespmem:s3], [sflag:$0x1] =	stream.linear.gather [hbm4b:s4+s3], $0x80, $0x38;
	[tilespmem:$0x8100] =	vst v63  }
0x8: {  	s6 =	simm.s32 $0x80;
	s7 =	simm.s32 $0x1;
	s5 =	sadd.s32 s13, s30  }
0x9: {  	[tilespmem:s6], [sflag:$0x1] =	stream.linear.gather [hbm4b:s5+s3], $0x80, $0x38;
	[tilespmem:$0x8100] =	vst v63  }
0xa: {  	_ =	swait.ge [sflag:s7], $0x80  }
0xb: {  	[sflag:s7] =	ssyncset.done $0x0  }
0xc: {  	s8 =	simm.s32 $0x100;
	[sflag:s7] =	ssyncadd.s32 $0xFFFFFF80  }
0xd: {  	[tilespmem:s8], [sflag:$0x2] =	stream.indirect.gather [hbm4b:s2+s6], $0x80, s3, s6, $0xb8;
	[tilespmem:$0x8100] =	vst v63  }
0xe: {  	_ =	swait.ge [sflag:s7], $0x80  }
0xf: {  	s17 =	sor.u32 $0x100, s14;
	[sflag:s7] =	ssyncset.done $0x0  }
0x10: {  	s9 =	simm.s32 $0x4100;
	s10 =	sshrl.u32 s17, $0x3;
	[sflag:s7] =	ssyncadd.s32 $0xFFFFFF80  }
0x11: {  	[tilespmem:s9], [sflag:$0x3] =	stream.indirect.gather [hbm4b:s2+s6], $0x80, s6, s6, $0xb8;
	[tilespmem:$0x8100] =	vst v63  }
0x12: {  	s11 =	simm.s32 $0x2;
	s10 =	sadd.s32 s13, s10  }
0x13: {  	[tilespmem:s3], [sflag:$0x1] =	stream.linear.gather [hbm4b:s10+s3], $0x80, $0x38;
	[tilespmem:$0x8100] =	vst v63  }
0x14: {  	_ =	swait.ge [sflag:s11], $0x4000  }
0x15: {  	s12 =	sshll.u32 s14, $0x4;
	[sflag:s11] =	ssyncset.done $0x0  }
0x16: {  	s12 =	sadd.s32 s19, s12;
	[sflag:s11] =	ssyncadd.s32 $0xFFFFC000  }
0x17: {  	[hbm4b:s12+s3] =	stream.linear.scatter [tilespmem:s8], [sflag:$0x4], $0x4000, $0x38;
	[tilespmem:$0x8100] =	vst v63  }
0x18: {  	_ =	swait.ge [sflag:s7], $0x80  }
0x19: {  	s21 =	sor.u32 $0x180, s14;
	[sflag:s7] =	ssyncset.done $0x0  }
0x1a: {  	s14 =	sshrl.u32 s21, $0x3;
	[sflag:s7] =	ssyncadd.s32 $0xFFFFFF80  }
0x1b: {  	[tilespmem:s8], [sflag:$0x2] =	stream.indirect.gather [hbm4b:s2+s6], $0x80, s3, s6, $0xb8;
	[tilespmem:$0x8100] =	vst v63  }
0x1c: {  	s13 =	sadd.s32 s13, s14;
	s14 =	simm.s32 $0x3  }
0x1d: {  	[tilespmem:s6], [sflag:$0x1] =	stream.linear.gather [hbm4b:s13+s3], $0x80, $0x38;
	[tilespmem:$0x8100] =	vst v63  }
0x1e: {  	_ =	swait.ge [sflag:s14], $0x4000  }
0x1f: {  	s15 =	sshll.u32 s15, $0x4;
	[sflag:s14] =	ssyncset.done $0x0  }
0x20: {  	s15 =	sadd.s32 s19, s15;
	[sflag:s14] =	ssyncadd.s32 $0xFFFFC000  }
0x21: {  	[hbm4b:s15+s3] =	stream.linear.scatter [tilespmem:s9], [sflag:$0x5], $0x4000, $0x38;
	[tilespmem:$0x8100] =	vst v63  }
0x22: {  	_ =	swait.ge [sflag:s7], $0x80  }
0x23: {  	[sflag:s7] =	ssyncset.done $0x0  }
0x24: {  	[sflag:s7] =	ssyncadd.s32 $0xFFFFFF80  }
0x25: {  	[tilespmem:s9], [sflag:$0x3] =	stream.indirect.gather [hbm4b:s2+s6], $0x80, s6, s6, $0xb8;
	[tilespmem:$0x8100] =	vst v63  }
0x26: {  	_ =	swait.ge [sflag:s11], $0x4000  }
0x27: {  	[sflag:s11] =	ssyncset.done $0x0  }
0x28: {  	s16 =	simm.s32 $0x4;
	[sflag:s11] =	ssyncadd.s32 $0xFFFFC000  }
0x29: {  	_ =	swait.ge [sflag:s16], $0x4000  }
0x2a: {  	s17 =	sshll.u32 s17, $0x4;
	[sflag:s16] =	ssyncset.done $0x0  }
0x2b: {  	s17 =	sadd.s32 s19, s17;
	[sflag:s16] =	ssyncadd.s32 $0xFFFFC000  }
0x2c: {  	[hbm4b:s17+s3] =	stream.linear.scatter [tilespmem:s8], [sflag:$0x4], $0x4000, $0x38;
	[tilespmem:$0x8100] =	vst v63  }
0x2d: {  	_ =	swait.ge [sflag:s14], $0x4000  }
0x2e: {  	s20 =	ssub.s32 $0x2, s20;
	[sflag:s14] =	ssyncset.done $0x0  }
0x2f: {  	s18 =	simm.s32 $0x5;
	s31 =	sshrl.u32 s20, $0x1;
	[sflag:s14] =	ssyncadd.s32 $0xFFFFC000  }
0x30: {  	s20 =	ssub.s32 s20, s31;
	_ =	swait.ge [sflag:s18], $0x4000  }
0x31: {  	s21 =	sshll.u32 s21, $0x4;
	s20 =	smax.u32 s20, $0x1;
	[sflag:s18] =	ssyncset.done $0x0  }
0x32: {  	s19 =	sadd.s32 s19, s21;
	p0 =	sne.s32 s20, $0x1;
	[sflag:s18] =	ssyncadd.s32 $0xFFFFC000  }
0x33: {  	[hbm4b:s19+s3] =	stream.linear.scatter [tilespmem:s9], [sflag:$0x5], $0x4000, $0x38;
	[tilespmem:$0x8100] =	vst v63  }
.Ltmp0:
0x34: {  	_ =	swait.ge [sflag:s16], $0x4000;
	(pc) =	sbr.rel @!p0 .LBB2_2-.Ltmp0, $4  }
0x35: {  	[sflag:s16] =	ssyncset.done $0x0  }
0x36: {  	[sflag:s16] =	ssyncadd.s32 $0xFFFFC000  }
0x37: {  	_ =	swait.ge [sflag:s18], $0x4000  }
0x38: {  	s20 =	sadd.s32 $0xFFFFFFFF, s20;
	[sflag:s18] =	ssyncset.done $0x0  }
.LBB2_1:
0x39: {  	p0 =	sne.s32 s20, $0x1;
	s20 =	sadd.s32 $0xFFFFFFFF, s20;
	[sflag:s18] =	ssyncadd.s32 $0xFFFFC000  }
0x3a: {  	[tilespmem:s3], [sflag:$0x1] =	stream.linear.gather [hbm4b:s4+s3], $0x80, $0x38;
	[tilespmem:$0x8100] =	vst v63  }
0x3b: {  	_ = 	snop  }
0x3c: {  	[tilespmem:s6], [sflag:$0x1] =	stream.linear.gather [hbm4b:s5+s3], $0x80, $0x38;
	[tilespmem:$0x8100] =	vst v63  }
0x3d: {  	_ =	swait.ge [sflag:s7], $0x80  }
0x3e: {  	[sflag:s7] =	ssyncset.done $0x0  }
0x3f: {  	[sflag:s7] =	ssyncadd.s32 $0xFFFFFF80  }
0x40: {  	[tilespmem:s8], [sflag:$0x2] =	stream.indirect.gather [hbm4b:s2+s6], $0x80, s3, s6, $0xb8;
	[tilespmem:$0x8100] =	vst v63  }
0x41: {  	_ =	swait.ge [sflag:s7], $0x80  }
0x42: {  	[sflag:s7] =	ssyncset.done $0x0  }
0x43: {  	[sflag:s7] =	ssyncadd.s32 $0xFFFFFF80  }
0x44: {  	[tilespmem:s9], [sflag:$0x3] =	stream.indirect.gather [hbm4b:s2+s6], $0x80, s6, s6, $0xb8;
	[tilespmem:$0x8100] =	vst v63  }
0x45: {  	_ = 	snop  }
0x46: {  	[tilespmem:s3], [sflag:$0x1] =	stream.linear.gather [hbm4b:s10+s3], $0x80, $0x38;
	[tilespmem:$0x8100] =	vst v63  }
0x47: {  	_ =	swait.ge [sflag:s11], $0x4000  }
0x48: {  	[sflag:s11] =	ssyncset.done $0x0  }
0x49: {  	[sflag:s11] =	ssyncadd.s32 $0xFFFFC000  }
0x4a: {  	[hbm4b:s12+s3] =	stream.linear.scatter [tilespmem:s8], [sflag:$0x4], $0x4000, $0x38;
	[tilespmem:$0x8100] =	vst v63  }
0x4b: {  	_ =	swait.ge [sflag:s7], $0x80  }
0x4c: {  	[sflag:s7] =	ssyncset.done $0x0  }
0x4d: {  	[sflag:s7] =	ssyncadd.s32 $0xFFFFFF80  }
0x4e: {  	[tilespmem:s8], [sflag:$0x2] =	stream.indirect.gather [hbm4b:s2+s6], $0x80, s3, s6, $0xb8;
	[tilespmem:$0x8100] =	vst v63  }
0x4f: {  	_ = 	snop  }
0x50: {  	[tilespmem:s6], [sflag:$0x1] =	stream.linear.gather [hbm4b:s13+s3], $0x80, $0x38;
	[tilespmem:$0x8100] =	vst v63  }
0x51: {  	_ =	swait.ge [sflag:s14], $0x4000  }
0x52: {  	[sflag:s14] =	ssyncset.done $0x0  }
0x53: {  	[sflag:s14] =	ssyncadd.s32 $0xFFFFC000  }
0x54: {  	[hbm4b:s15+s3] =	stream.linear.scatter [tilespmem:s9], [sflag:$0x5], $0x4000, $0x38;
	[tilespmem:$0x8100] =	vst v63  }
0x55: {  	_ =	swait.ge [sflag:s7], $0x80  }
0x56: {  	[sflag:s7] =	ssyncset.done $0x0  }
0x57: {  	[sflag:s7] =	ssyncadd.s32 $0xFFFFFF80  }
0x58: {  	[tilespmem:s9], [sflag:$0x3] =	stream.indirect.gather [hbm4b:s2+s6], $0x80, s6, s6, $0xb8;
	[tilespmem:$0x8100] =	vst v63  }
0x59: {  	_ =	swait.ge [sflag:s11], $0x4000  }
0x5a: {  	[sflag:s11] =	ssyncset.done $0x0  }
0x5b: {  	[sflag:s11] =	ssyncadd.s32 $0xFFFFC000  }
0x5c: {  	_ =	swait.ge [sflag:s16], $0x4000  }
0x5d: {  	[sflag:s16] =	ssyncset.done $0x0  }
0x5e: {  	[sflag:s16] =	ssyncadd.s32 $0xFFFFC000  }
0x5f: {  	[hbm4b:s17+s3] =	stream.linear.scatter [tilespmem:s8], [sflag:$0x4], $0x4000, $0x38;
	[tilespmem:$0x8100] =	vst v63  }
0x60: {  	_ =	swait.ge [sflag:s14], $0x4000  }
0x61: {  	[sflag:s14] =	ssyncset.done $0x0  }
0x62: {  	[sflag:s14] =	ssyncadd.s32 $0xFFFFC000  }
0x63: {  	_ =	swait.ge [sflag:s18], $0x4000  }
0x64: {  	[sflag:s18] =	ssyncset.done $0x0  }
0x65: {  	[sflag:s18] =	ssyncadd.s32 $0xFFFFC000  }
0x66: {  	[hbm4b:s19+s3] =	stream.linear.scatter [tilespmem:s9], [sflag:$0x5], $0x4000, $0x38;
	[tilespmem:$0x8100] =	vst v63  }
.Ltmp1:
0x67: {  	_ =	swait.ge [sflag:s16], $0x4000;
	(pc) =	sbr.rel @p0 .LBB2_1-.Ltmp1, $4  }
0x68: {  	[sflag:s16] =	ssyncset.done $0x0  }
0x69: {  	[sflag:s16] =	ssyncadd.s32 $0xFFFFC000  }
0x6a: {  	_ =	swait.ge [sflag:s18], $0x4000  }
0x6b: {  	[sflag:s18] =	ssyncset.done $0x0  }
.LBB2_2:
0x6c: {  	[sflag:s18] =	ssyncadd.s32 $0xFFFFC000  }
0x6d: {  	_ =	sfence.sel $0x180000  }
0x6e: {  	[bflag:$0x0] =	sbarrier.arrive $0xFFFF  }
0x6f: {  	p0 =	sne.s32 s0, $0x0;
	_ =	strace $0x90000047  }
0x70: {  	s0 =	sadd.s32 @!p0 $0x100000, s1;
	[bflag:$0x2] =	sbarrier.arrive $0xFFFF  }
0x71: {  	[sflag:s0] =	ssyncadd.tile.s32 @!p0 $0x1;
	_ =	shalt  }
.Lfunc_end2:
_tile_overlayer_lowered:
.L_overlay_start_2:
0x72: {  	(tag) =	ssettag $0x2  }
0x73: {  	s0 =	rddreg [dreg:$0x0];
	s2 =	stileid.u32  }
0x74: {  	s1 =	rddreg [dreg:$0x1];
	p0 =	sne.s32 s2, $0x0  }
0x75: {  	s3 =	rddreg [dreg:$0x2];
	[bflag:$0x3] =	sbarrier.arrive $0xFFFF;
	s2 =	simm.s32 @!p0 $0x1C06  }
0x76: {  	[timem:s3], [sflag:s2] =	dma.local @!p0 [hbm:s0], s1  }
0x77: {  	s0 =	simm.s32 @!p0 $0x6  }
0x78: {  	_ =	swait.ge @!p0 [sflag:s0], s1  }
0x79: {  	s1 =	ssub.s32 @!p0 $0x0, s1;
	[sflag:s0] =	ssyncset.done @!p0 $0x0  }
0x7a: {  	[sflag:s0] =	ssyncadd.s32 @!p0 s1  }
0x7b: {  	[bflag:$0x3] =	sbarrier.arrive $0xFFFF  }
0x7c: {  	_ =	shalt  }

</sc_bundles>
